<compile_context>
chip_gen: v7x
topology: tpu7x:2x2x1
jax: 0.10.2.dev20260603
libtpu: 0.0.44.dev20260713+nightly
codegen_flags: <defaults>
</compile_context>

<pallas_src>
import functools

import jax
import jax.numpy as jnp
from jax import lax
from jax.experimental import pallas as pl
from jax.experimental.pallas import tpu as pltpu, tpu_sc as plsc

_TEMP = 0.05
_B = 1024
_D = 128
_N = 100000
_TILE = 4096
_TFULL = _N // _TILE
_TAILBLK = 2048
_CAP = 18.420680743952367
_LOG2E = 1.4426950408889634
_LN2 = 0.6931471805599453


def _make_sc_gather():
    info = plsc.get_sparse_core_info()
    nc, ns = info.num_cores, info.num_subcores
    nw = nc * ns
    b_per_w = _B // nw
    mesh = plsc.VectorSubcoreMesh(core_axis_name="c", subcore_axis_name="s")

    @functools.partial(
        pl.kernel,
        mesh=mesh,
        out_type=jax.ShapeDtypeStruct((_B, _D), jnp.float32),
        scratch_types=[
            pltpu.VMEM((b_per_w,), jnp.int32),
            pltpu.VMEM((b_per_w, _D), jnp.float32),
            pltpu.SemaphoreType.DMA,
        ],
    )
    def sc_gather(table_hbm, idx_hbm, out_hbm, idx_v, rows_v, sem):
        wid = lax.axis_index("s") * nc + lax.axis_index("c")
        base = wid * b_per_w
        pltpu.sync_copy(idx_hbm.at[pl.ds(base, b_per_w)], idx_v)
        pltpu.async_copy(table_hbm.at[idx_v], rows_v, sem).wait()
        pltpu.sync_copy(rows_v, out_hbm.at[pl.ds(base, b_per_w)])

    return sc_gather


_sc_gather_cache = []


def _sc_gather(features, indexes):
    if not _sc_gather_cache:
        _sc_gather_cache.append(_make_sc_gather())
    return _sc_gather_cache[0](features, indexes)


_SUB = 4096
_NSUB = 4
_BLK = _SUB * _NSUB
_GSTEPS = _TFULL * _TILE // _BLK


def _lse_body(x_ref, feat_ref, out_ref, xb_ref, s_ref):
    i = pl.program_id(0)

    @pl.when(i == 0)
    def _init():
        x = x_ref[...]
        nrm = jnp.sqrt(jnp.sum(x * x, axis=1, keepdims=True))
        scale = _LOG2E / (jnp.maximum(nrm, 1e-12) * _TEMP)
        xb_ref[...] = (x * scale).astype(jnp.bfloat16)
        s_ref[...] = jnp.zeros((_B, 1), jnp.float32)

    xb = xb_ref[...]
    total = jnp.zeros((_B, 1), jnp.float32)
    for k in range(_NSUB):
        fk = feat_ref[pl.ds(k * _SUB, _SUB), :].astype(jnp.bfloat16)
        uk = lax.dot_general(
            xb, fk, (((1,), (1,)), ((), ())),
            preferred_element_type=jnp.float32,
        )
        total += jnp.sum(jnp.exp2(uk), axis=1, keepdims=True)
    s_ref[...] += total

    @pl.when(i == _GSTEPS - 1)
    def _emit():
        out_ref[...] = s_ref[...]


def _lse_sums(inputs, features):
    return pl.pallas_call(
        _lse_body,
        grid=(_GSTEPS,),
        in_specs=[
            pl.BlockSpec((_B, _D), lambda i: (0, 0)),
            pl.BlockSpec((_BLK, _D), lambda i: (i, 0)),
        ],
        out_specs=pl.BlockSpec((_B, 1), lambda i: (0, 0)),
        out_shape=jax.ShapeDtypeStruct((_B, 1), jnp.float32),
        scratch_shapes=[
            pltpu.VMEM((_B, _D), jnp.bfloat16),
            pltpu.VMEM((_B, 1), jnp.float32),
        ],
    )(inputs, features)


def _finish_body(x_ref, g_ref, tail_ref, s_in_ref, out_ref):
    x = x_ref[...]
    nrm = jnp.sqrt(jnp.sum(x * x, axis=1, keepdims=True))
    scale = _LOG2E / (jnp.maximum(nrm, 1e-12) * _TEMP)
    xs = x * scale
    ut = lax.dot_general(
        xs.astype(jnp.bfloat16), tail_ref[...].astype(jnp.bfloat16),
        (((1,), (1,)), ((), ())),
        preferred_element_type=jnp.float32,
    )
    cols = _TFULL * _TILE + lax.broadcasted_iota(jnp.int32, (1, _TAILBLK), 1)
    ut = jnp.where(cols < _N, ut, -jnp.inf)
    s_tot = s_in_ref[...] + jnp.sum(jnp.exp2(ut), axis=1, keepdims=True)
    u_sel = jnp.sum(xs * g_ref[...], axis=1, keepdims=True)
    loss_i = jnp.minimum(_LN2 * (jnp.log2(s_tot) - u_sel), _CAP)
    out_ref[...] = jnp.sum(loss_i).reshape(1, 1) * (1.0 / _B)


def _finish(inputs, g, features, s):
    tail_block = _TFULL * _TILE // _TAILBLK
    return pl.pallas_call(
        _finish_body,
        grid=(1,),
        in_specs=[
            pl.BlockSpec((_B, _D), lambda i: (0, 0)),
            pl.BlockSpec((_B, _D), lambda i: (0, 0)),
            pl.BlockSpec((_TAILBLK, _D), lambda i: (tail_block, 0)),
            pl.BlockSpec((_B, 1), lambda i: (0, 0)),
        ],
        out_specs=pl.BlockSpec((1, 1), lambda i: (0, 0)),
        out_shape=jax.ShapeDtypeStruct((1, 1), jnp.float32),
    )(inputs, g, features, s)


def kernel(inputs, indexes, cameras, features):
    g = _sc_gather(features, indexes)
    s = _lse_sums(inputs, features)
    out = _finish(inputs, g, features, s)
    return out[0, 0]

# --- scband reference (transcript-rebuilt; emitter-appended) ---
"""Pipeline reference for scband-cluster-memory-v2-38233798869642 (READ-ONLY COPY).

The authoritative reference and input builder live on the scoring server;
editing this copy changes nothing except your own understanding.
"""

import jax, jax.numpy as jnp
import numpy as np

NUM_FEATURES = 128
NUM_SAMPLES = 100000
BATCH = 1024
TEMP = 0.05


def setup_inputs(seed: int = 0) -> dict:
    key = jax.random.key(seed)
    k1, k2, k3, k4 = jax.random.split(key, 4)
    inputs = jax.random.normal(k1, (BATCH, NUM_FEATURES), dtype=jnp.float32)
    indexes = jax.random.randint(k2, (BATCH,), 0, NUM_SAMPLES, dtype=jnp.int32)
    cameras = jax.random.randint(k3, (BATCH,), 0, 8, dtype=jnp.int32)
    # features buffer (memory bank). Module registers zeros; we initialize with
    # L2-normalized random rows (as after a real EM warm-up) so softmax is nontrivial.
    feats = jax.random.normal(k4, (NUM_SAMPLES, NUM_FEATURES), dtype=jnp.float32)
    feats = feats / jnp.clip(jnp.linalg.norm(feats, axis=1, keepdims=True), 1e-12)
    return {"inputs": inputs, "indexes": indexes, "cameras": cameras, "features": feats}


def reference(inputs, indexes, cameras, features):
    # inputs = F.normalize(inputs, dim=1)
    norm = jnp.clip(jnp.linalg.norm(inputs, axis=1, keepdims=True), 1e-12)
    x = inputs / norm
    # sim = EM.forward -> inputs.mm(features.t())
    sim = x @ features.T
    sim_exp = sim / TEMP
    # score_intra = softmax(sim_exp, dim=1).clamp_min(1e-8)
    score_intra = jax.nn.softmax(sim_exp, axis=1)
    score_intra = jnp.clip(score_intra, 1e-8)
    # mask_instance has exactly one 1 per row at column indexes[i];
    # masked_select therefore picks score_intra[i, indexes[i]]
    B = x.shape[0]
    sel = score_intra[jnp.arange(B), indexes]
    ins_loss = -jnp.log(sel).mean()
    return ins_loss

if __name__ == "__main__":
    import jax
    _d = setup_inputs()
    print(jax.jit(kernel)(*tuple(_d.values())))

</pallas_src>

<mosaic_0001>
#map = affine_map<(d0, d1) -> (0, 0)>
#map1 = affine_map<(d0, d1) -> (0)>
module attributes {stable_mosaic.version = 14 : i64} {
  func.func @sc_gather(%arg0: i32, %arg1: i32, %arg2: memref<100000x128xf32, #tpu.memory_space<hbm>>, %arg3: memref<1024xi32, #tpu.memory_space<hbm>>, %arg4: memref<1024x128xf32, #tpu.memory_space<hbm>>, %arg5: memref<32xi32, #tpu.memory_space<vmem>>, %arg6: memref<32x128xf32, #tpu.memory_space<vmem>>, %arg7: memref<!tpu.dma_semaphore, #tpu.memory_space<semaphore_mem>>) attributes {dimension_semantics = [#tpu.dimension_semantics<core_parallel>, #tpu.dimension_semantics<subcore_parallel>], iteration_bounds = array<i64: 2, 16>, scalar_prefetch = 0 : i64, scratch_operands = 3 : i64, tpu.core_type = #tpu.core_type<sc_vector_subcore>, window_params = [{transform_indices = #map}, {transform_indices = #map1}, {transform_indices = #map}]} {
    %mul3A = arith.constant 2 : i32
    %mul3A_0 = arith.muli %arg1, %mul3A : i32
    %add3A = arith.addi %mul3A_0, %arg0 : i32
    %mul3A_1 = arith.constant 32 : i32
    %mul3A_2 = arith.muli %add3A, %mul3A_1 : i32
    "tpu.region"() ({
      %run_scoped3A = tpu.sem_alloc : memref<!tpu.dma_semaphore, #tpu.memory_space<semaphore_mem>>
      %dma_start3A_7 = tpu.memref_slice %arg3[%mul3A_2] : memref<1024xi32, #tpu.memory_space<hbm>> -> memref<32xi32, #tpu.memory_space<hbm>>
      %dma_start3A_8 = tpu.memref_slice %arg3[%mul3A_2] : memref<1024xi32, #tpu.memory_space<hbm>> -> memref<32xi32, #tpu.memory_space<hbm>>
      tpu.enqueue_dma source(%dma_start3A_8 : memref<32xi32, #tpu.memory_space<hbm>>) target(%arg5 : memref<32xi32, #tpu.memory_space<vmem>>) target_semaphore(%run_scoped3A : memref<!tpu.dma_semaphore, #tpu.memory_space<semaphore_mem>>)
      %dma_wait3A_9 = tpu.memref_slice %arg3[%mul3A_2] : memref<1024xi32, #tpu.memory_space<hbm>> -> memref<32xi32, #tpu.memory_space<hbm>>
      %dma_wait3A_10 = tpu.memref_slice %arg3[%mul3A_2] : memref<1024xi32, #tpu.memory_space<hbm>> -> memref<32xi32, #tpu.memory_space<hbm>>
      tpu.wait_dma2 semaphore(%run_scoped3A : memref<!tpu.dma_semaphore, #tpu.memory_space<semaphore_mem>>) src(%dma_wait3A_10 : memref<32xi32, #tpu.memory_space<hbm>>) dst(%arg5 : memref<32xi32, #tpu.memory_space<vmem>>)
      tpu.yield
    }) : () -> ()
    %dma_start3A = arith.constant 0 : i32
    %dma_start3A_3 = arith.constant 0 : i32
    %dma_start3A_4 = tpu.memref_slice %arg2[%dma_start3A, %dma_start3A_3] : memref<100000x128xf32, #tpu.memory_space<hbm>> -> memref<100000x128xf32, #tpu.memory_space<hbm>>
    tpu.enqueue_indirect_dma source(%dma_start3A_4 : memref<100000x128xf32, #tpu.memory_space<hbm>>) target(%arg6 : memref<32x128xf32, #tpu.memory_space<vmem>>) offsets(%arg5 : memref<32xi32, #tpu.memory_space<vmem>>) semaphore(%arg7 : memref<!tpu.dma_semaphore, #tpu.memory_space<semaphore_mem>>)
    %dma_wait3A = arith.constant 0 : i32
    %dma_wait3A_5 = arith.constant 0 : i32
    %dma_wait3A_6 = tpu.memref_slice %arg2[%dma_wait3A, %dma_wait3A_5] : memref<100000x128xf32, #tpu.memory_space<hbm>> -> memref<100000x128xf32, #tpu.memory_space<hbm>>
    tpu.wait_indirect_dma semaphore(%arg7 : memref<!tpu.dma_semaphore, #tpu.memory_space<semaphore_mem>>) src(%dma_wait3A_6 : memref<100000x128xf32, #tpu.memory_space<hbm>>) dst(%arg6 : memref<32x128xf32, #tpu.memory_space<vmem>>)
    "tpu.region"() ({
      %run_scoped3A = tpu.sem_alloc : memref<!tpu.dma_semaphore, #tpu.memory_space<semaphore_mem>>
      %dma_start3A_7 = arith.constant 0 : i32
      %dma_start3A_8 = tpu.memref_slice %arg4[%mul3A_2, %dma_start3A_7] : memref<1024x128xf32, #tpu.memory_space<hbm>> -> memref<32x128xf32, #tpu.memory_space<hbm>>
      %dma_start3A_9 = arith.constant 0 : i32
      %dma_start3A_10 = tpu.memref_slice %arg4[%mul3A_2, %dma_start3A_9] : memref<1024x128xf32, #tpu.memory_space<hbm>> -> memref<32x128xf32, #tpu.memory_space<hbm>>
      tpu.enqueue_dma source(%arg6 : memref<32x128xf32, #tpu.memory_space<vmem>>) target(%dma_start3A_10 : memref<32x128xf32, #tpu.memory_space<hbm>>) target_semaphore(%run_scoped3A : memref<!tpu.dma_semaphore, #tpu.memory_space<semaphore_mem>>)
      %dma_wait3A_11 = arith.constant 0 : i32
      %dma_wait3A_12 = tpu.memref_slice %arg4[%mul3A_2, %dma_wait3A_11] : memref<1024x128xf32, #tpu.memory_space<hbm>> -> memref<32x128xf32, #tpu.memory_space<hbm>>
      %dma_wait3A_13 = arith.constant 0 : i32
      %dma_wait3A_14 = tpu.memref_slice %arg4[%mul3A_2, %dma_wait3A_13] : memref<1024x128xf32, #tpu.memory_space<hbm>> -> memref<32x128xf32, #tpu.memory_space<hbm>>
      tpu.wait_dma2 semaphore(%run_scoped3A : memref<!tpu.dma_semaphore, #tpu.memory_space<semaphore_mem>>) src(%arg6 : memref<32x128xf32, #tpu.memory_space<vmem>>) dst(%dma_wait3A_14 : memref<32x128xf32, #tpu.memory_space<hbm>>)
      tpu.yield
    }) : () -> ()
    return
  }
}

module attributes {stable_mosaic.version = 14 : i64} {
  func.func @_lse_body(%arg0: i32, %arg1: memref<1024x128xf32, #tpu.memory_space<vmem>>, %arg2: memref<16384x128xf32, #tpu.memory_space<vmem>>, %arg3: memref<1024x1xf32, #tpu.memory_space<vmem>>, %arg4: memref<1024x128xbf16, #tpu.memory_space<vmem>>, %arg5: memref<1024x1xf32, #tpu.memory_space<vmem>>) attributes {dimension_semantics = [#tpu.dimension_semantics<arbitrary>], iteration_bounds = array<i64: 6>, scalar_prefetch = 0 : i64, scratch_operands = 2 : i64, tpu.core_type = #tpu.core_type<tc>, window_params = [{pipeline_mode = #tpu.pipeline_mode<synchronous>, transform_indices = @transform_0, window_bounds = array<i64: 1024, 128>}, {transform_indices = @transform_1, window_bounds = array<i64: 16384, 128>}, {pipeline_mode = #tpu.pipeline_mode<synchronous>, transform_indices = @transform_2, window_bounds = array<i64: 1024, 1>}]} {
    %eq3A = arith.constant 0 : i32
    %eq3A_0 = arith.cmpi eq, %arg0, %eq3A : i32
    %convert_element_type3A = arith.extui %eq3A_0 : i1 to i32
    %cond3A = arith.constant 0 : i32
    %cond3A_1 = arith.cmpi ne, %convert_element_type3A, %cond3A : i32
    scf.if %cond3A_1 {
      %get3A_56 = arith.constant 0 : index
      %get3A_57 = arith.constant 0 : index
      %get3A_58 = vector.load %arg1[%get3A_56, %get3A_57] : memref<1024x128xf32, #tpu.memory_space<vmem>>, vector<1024x128xf32>
      %mul3A = arith.mulf %get3A_58, %get3A_58 : vector<1024x128xf32>
      %reduce_sum3A_59 = arith.constant dense<0.000000e+00> : vector<1024xf32>
      %reduce_sum3A_60 = vector.multi_reduction <add>, %mul3A, %reduce_sum3A_59 [1] : vector<1024x128xf32> to vector<1024xf32>
      %broadcast_in_dim3A_61 = vector.shape_cast %reduce_sum3A_60 : vector<1024xf32> to vector<1024x1xf32>
      %sqrt3A = math.sqrt %broadcast_in_dim3A_61 : vector<1024x1xf32>
      %max3A = arith.constant 9.99999996E-13 : f32
      %max3A_62 = vector.broadcast %max3A : f32 to vector<1024x1xf32>
      %max3A_63 = arith.maximumf %sqrt3A, %max3A_62 : vector<1024x1xf32>
      %mul3A_64 = arith.constant 5.000000e-02 : f32
      %mul3A_65 = vector.broadcast %mul3A_64 : f32 to vector<1024x1xf32>
      %mul3A_66 = arith.mulf %max3A_63, %mul3A_65 : vector<1024x1xf32>
      %div3A = arith.constant 1.44269502 : f32
      %div3A_67 = vector.broadcast %div3A : f32 to vector<1024x1xf32>
      %div3A_68 = arith.divf %div3A_67, %mul3A_66 : vector<1024x1xf32>
      %mul3A_69 = vector.broadcast %div3A_68 : vector<1024x1xf32> to vector<1024x128xf32>
      %mul3A_70 = arith.mulf %get3A_58, %mul3A_69 : vector<1024x128xf32>
      %convert_element_type3A_71 = arith.truncf %mul3A_70 : vector<1024x128xf32> to vector<1024x128xbf16>
      %swap3A_72 = arith.constant 0 : index
      %swap3A_73 = arith.constant 0 : index
      %swap3A_74 = vector.load %arg4[%swap3A_72, %swap3A_73] : memref<1024x128xbf16, #tpu.memory_space<vmem>>, vector<1024x128xbf16>
      tpu.vector_store %arg4[%swap3A_72, %swap3A_73], %convert_element_type3A_71 {strides = array<i32>} : memref<1024x128xbf16, #tpu.memory_space<vmem>>, vector<1024x128xbf16>,
      %broadcast_in_dim3A_75 = arith.constant 0.000000e+00 : f32
      %broadcast_in_dim3A_76 = vector.broadcast %broadcast_in_dim3A_75 : f32 to vector<1024x1xf32>
      %swap3A_77 = arith.constant 0 : index
      %swap3A_78 = arith.constant 0 : index
      %swap3A_79 = vector.load %arg5[%swap3A_77, %swap3A_78] : memref<1024x1xf32, #tpu.memory_space<vmem>>, vector<1024x1xf32>
      tpu.vector_store %arg5[%swap3A_77, %swap3A_78], %broadcast_in_dim3A_76 {strides = array<i32>} : memref<1024x1xf32, #tpu.memory_space<vmem>>, vector<1024x1xf32>,
    } else {
    }
    %get3A = arith.constant 0 : index
    %get3A_2 = arith.constant 0 : index
    %get3A_3 = vector.load %arg4[%get3A, %get3A_2] : memref<1024x128xbf16, #tpu.memory_space<vmem>>, vector<1024x128xbf16>
    %broadcast_in_dim3A = arith.constant 0.000000e+00 : f32
    %broadcast_in_dim3A_4 = vector.broadcast %broadcast_in_dim3A : f32 to vector<1024x1xf32>
    %get3A_5 = arith.constant 0 : index
    %get3A_6 = arith.constant 0 : index
    %get3A_7 = vector.load %arg2[%get3A_5, %get3A_6] : memref<16384x128xf32, #tpu.memory_space<vmem>>, vector<4096x128xf32>
    %convert_element_type3A_8 = arith.truncf %get3A_7 : vector<4096x128xf32> to vector<4096x128xbf16>
    %dot_general3A = arith.constant dense<0.000000e+00> : vector<1024x4096xf32>
    %dot_general3A_9 = tpu.matmul %get3A_3, %convert_element_type3A_8, %dot_general3A {dimension_numbers = #tpu.dot_dimension_numbers<[1], [1], [0], [0], [0, 0, 1, 0], [], []>, transpose_lhs_hint = false} : vector<1024x128xbf16>, vector<4096x128xbf16>, vector<1024x4096xf32> -> vector<1024x4096xf32>
    %exp23A = math.exp2 %dot_general3A_9 : vector<1024x4096xf32>
    %reduce_sum3A = arith.constant dense<0.000000e+00> : vector<1024xf32>
    %reduce_sum3A_10 = vector.multi_reduction <add>, %exp23A, %reduce_sum3A [1] : vector<1024x4096xf32> to vector<1024xf32>
    %broadcast_in_dim3A_11 = vector.shape_cast %reduce_sum3A_10 : vector<1024xf32> to vector<1024x1xf32>
    %add3A = arith.addf %broadcast_in_dim3A_4, %broadcast_in_dim3A_11 : vector<1024x1xf32>
    %get3A_12 = arith.constant 4096 : index
    %get3A_13 = arith.constant 0 : index
    %get3A_14 = vector.load %arg2[%get3A_12, %get3A_13] : memref<16384x128xf32, #tpu.memory_space<vmem>>, vector<4096x128xf32>
    %convert_element_type3A_15 = arith.truncf %get3A_14 : vector<4096x128xf32> to vector<4096x128xbf16>
    %dot_general3A_16 = arith.constant dense<0.000000e+00> : vector<1024x4096xf32>
    %dot_general3A_17 = tpu.matmul %get3A_3, %convert_element_type3A_15, %dot_general3A_16 {dimension_numbers = #tpu.dot_dimension_numbers<[1], [1], [0], [0], [0, 0, 1, 0], [], []>, transpose_lhs_hint = false} : vector<1024x128xbf16>, vector<4096x128xbf16>, vector<1024x4096xf32> -> vector<1024x4096xf32>
    %exp23A_18 = math.exp2 %dot_general3A_17 : vector<1024x4096xf32>
    %reduce_sum3A_19 = arith.constant dense<0.000000e+00> : vector<1024xf32>
    %reduce_sum3A_20 = vector.multi_reduction <add>, %exp23A_18, %reduce_sum3A_19 [1] : vector<1024x4096xf32> to vector<1024xf32>
    %broadcast_in_dim3A_21 = vector.shape_cast %reduce_sum3A_20 : vector<1024xf32> to vector<1024x1xf32>
    %add3A_22 = arith.addf %add3A, %broadcast_in_dim3A_21 : vector<1024x1xf32>
    %get3A_23 = arith.constant 8192 : index
    %get3A_24 = arith.constant 0 : index
    %get3A_25 = vector.load %arg2[%get3A_23, %get3A_24] : memref<16384x128xf32, #tpu.memory_space<vmem>>, vector<4096x128xf32>
    %convert_element_type3A_26 = arith.truncf %get3A_25 : vector<4096x128xf32> to vector<4096x128xbf16>
    %dot_general3A_27 = arith.constant dense<0.000000e+00> : vector<1024x4096xf32>
    %dot_general3A_28 = tpu.matmul %get3A_3, %convert_element_type3A_26, %dot_general3A_27 {dimension_numbers = #tpu.dot_dimension_numbers<[1], [1], [0], [0], [0, 0, 1, 0], [], []>, transpose_lhs_hint = false} : vector<1024x128xbf16>, vector<4096x128xbf16>, vector<1024x4096xf32> -> vector<1024x4096xf32>
    %exp23A_29 = math.exp2 %dot_general3A_28 : vector<1024x4096xf32>
    %reduce_sum3A_30 = arith.constant dense<0.000000e+00> : vector<1024xf32>
    %reduce_sum3A_31 = vector.multi_reduction <add>, %exp23A_29, %reduce_sum3A_30 [1] : vector<1024x4096xf32> to vector<1024xf32>
    %broadcast_in_dim3A_32 = vector.shape_cast %reduce_sum3A_31 : vector<1024xf32> to vector<1024x1xf32>
    %add3A_33 = arith.addf %add3A_22, %broadcast_in_dim3A_32 : vector<1024x1xf32>
    %get3A_34 = arith.constant 12288 : index
    %get3A_35 = arith.constant 0 : index
    %get3A_36 = vector.load %arg2[%get3A_34, %get3A_35] : memref<16384x128xf32, #tpu.memory_space<vmem>>, vector<4096x128xf32>
    %convert_element_type3A_37 = arith.truncf %get3A_36 : vector<4096x128xf32> to vector<4096x128xbf16>
    %dot_general3A_38 = arith.constant dense<0.000000e+00> : vector<1024x4096xf32>
    %dot_general3A_39 = tpu.matmul %get3A_3, %convert_element_type3A_37, %dot_general3A_38 {dimension_numbers = #tpu.dot_dimension_numbers<[1], [1], [0], [0], [0, 0, 1, 0], [], []>, transpose_lhs_hint = false} : vector<1024x128xbf16>, vector<4096x128xbf16>, vector<1024x4096xf32> -> vector<1024x4096xf32>
    %exp23A_40 = math.exp2 %dot_general3A_39 : vector<1024x4096xf32>
    %reduce_sum3A_41 = arith.constant dense<0.000000e+00> : vector<1024xf32>
    %reduce_sum3A_42 = vector.multi_reduction <add>, %exp23A_40, %reduce_sum3A_41 [1] : vector<1024x4096xf32> to vector<1024xf32>
    %broadcast_in_dim3A_43 = vector.shape_cast %reduce_sum3A_42 : vector<1024xf32> to vector<1024x1xf32>
    %add3A_44 = arith.addf %add3A_33, %broadcast_in_dim3A_43 : vector<1024x1xf32>
    %get3A_45 = arith.constant 0 : index
    %get3A_46 = arith.constant 0 : index
    %get3A_47 = vector.load %arg5[%get3A_45, %get3A_46] : memref<1024x1xf32, #tpu.memory_space<vmem>>, vector<1024x1xf32>
    %add3A_48 = arith.addf %get3A_47, %add3A_44 : vector<1024x1xf32>
    %swap3A = arith.constant 0 : index
    %swap3A_49 = arith.constant 0 : index
    %swap3A_50 = vector.load %arg5[%swap3A, %swap3A_49] : memref<1024x1xf32, #tpu.memory_space<vmem>>, vector<1024x1xf32>
    tpu.vector_store %arg5[%swap3A, %swap3A_49], %add3A_48 {strides = array<i32>} : memref<1024x1xf32, #tpu.memory_space<vmem>>, vector<1024x1xf32>,
    %eq3A_51 = arith.constant 5 : i32
    %eq3A_52 = arith.cmpi eq, %arg0, %eq3A_51 : i32
    %convert_element_type3A_53 = arith.extui %eq3A_52 : i1 to i32
    %cond3A_54 = arith.constant 0 : i32
    %cond3A_55 = arith.cmpi ne, %convert_element_type3A_53, %cond3A_54 : i32
    scf.if %cond3A_55 {
      %get3A_56 = arith.constant 0 : index
      %get3A_57 = arith.constant 0 : index
      %get3A_58 = vector.load %arg5[%get3A_56, %get3A_57] : memref<1024x1xf32, #tpu.memory_space<vmem>>, vector<1024x1xf32>
      %swap3A_59 = arith.constant 0 : index
      %swap3A_60 = arith.constant 0 : index
      %swap3A_61 = vector.load %arg3[%swap3A_59, %swap3A_60] : memref<1024x1xf32, #tpu.memory_space<vmem>>, vector<1024x1xf32>
      tpu.vector_store %arg3[%swap3A_59, %swap3A_60], %get3A_58 {strides = array<i32>} : memref<1024x1xf32, #tpu.memory_space<vmem>>, vector<1024x1xf32>,
    } else {
    }
    return
  }
  func.func @transform_0(%arg0: i32) -> (i32, i32) {
    %c0_i32 = arith.constant 0 : i32
    %c0_i32_0 = arith.constant 0 : i32
    %c0_i32_1 = arith.constant 0 : i32
    return %c0_i32, %c0_i32_0 : i32, i32
  }
  func.func @transform_1(%arg0: i32) -> (i32, i32) {
    %c0_i32 = arith.constant 0 : i32
    %c0_i32_0 = arith.constant 0 : i32
    return %arg0, %c0_i32 : i32, i32
  }
  func.func @transform_2(%arg0: i32) -> (i32, i32) {
    %c0_i32 = arith.constant 0 : i32
    %c0_i32_0 = arith.constant 0 : i32
    %c0_i32_1 = arith.constant 0 : i32
    return %c0_i32, %c0_i32_0 : i32, i32
  }
}

module attributes {stable_mosaic.version = 14 : i64} {
  func.func @_finish_body(%arg0: i32, %arg1: memref<1024x128xf32, #tpu.memory_space<vmem>>, %arg2: memref<1024x128xf32, #tpu.memory_space<vmem>>, %arg3: memref<2048x128xf32, #tpu.memory_space<vmem>>, %arg4: memref<1024x1xf32, #tpu.memory_space<vmem>>, %arg5: memref<1x1xf32, #tpu.memory_space<vmem>>) attributes {dimension_semantics = [#tpu.dimension_semantics<arbitrary>], iteration_bounds = array<i64: 1>, scalar_prefetch = 0 : i64, scratch_operands = 0 : i64, tpu.core_type = #tpu.core_type<tc>, window_params = [{pipeline_mode = #tpu.pipeline_mode<synchronous>, transform_indices = @transform_0, window_bounds = array<i64: 1024, 128>}, {pipeline_mode = #tpu.pipeline_mode<synchronous>, transform_indices = @transform_1, window_bounds = array<i64: 1024, 128>}, {transform_indices = @transform_2, window_bounds = array<i64: 2048, 128>}, {pipeline_mode = #tpu.pipeline_mode<synchronous>, transform_indices = @transform_3, window_bounds = array<i64: 1024, 1>}, {pipeline_mode = #tpu.pipeline_mode<synchronous>, transform_indices = @transform_4, window_bounds = array<i64: 1, 1>}]} {
    %get3A = arith.constant 0 : index
    %get3A_0 = arith.constant 0 : index
    %get3A_1 = vector.load %arg1[%get3A, %get3A_0] : memref<1024x128xf32, #tpu.memory_space<vmem>>, vector<1024x128xf32>
    %mul3A = arith.mulf %get3A_1, %get3A_1 : vector<1024x128xf32>
    %reduce_sum3A = arith.constant dense<0.000000e+00> : vector<1024xf32>
    %reduce_sum3A_2 = vector.multi_reduction <add>, %mul3A, %reduce_sum3A [1] : vector<1024x128xf32> to vector<1024xf32>
    %broadcast_in_dim3A = vector.shape_cast %reduce_sum3A_2 : vector<1024xf32> to vector<1024x1xf32>
    %sqrt3A = math.sqrt %broadcast_in_dim3A : vector<1024x1xf32>
    %max3A = arith.constant 9.99999996E-13 : f32
    %max3A_3 = vector.broadcast %max3A : f32 to vector<1024x1xf32>
    %max3A_4 = arith.maximumf %sqrt3A, %max3A_3 : vector<1024x1xf32>
    %mul3A_5 = arith.constant 5.000000e-02 : f32
    %mul3A_6 = vector.broadcast %mul3A_5 : f32 to vector<1024x1xf32>
    %mul3A_7 = arith.mulf %max3A_4, %mul3A_6 : vector<1024x1xf32>
    %div3A = arith.constant 1.44269502 : f32
    %div3A_8 = vector.broadcast %div3A : f32 to vector<1024x1xf32>
    %div3A_9 = arith.divf %div3A_8, %mul3A_7 : vector<1024x1xf32>
    %mul3A_10 = vector.broadcast %div3A_9 : vector<1024x1xf32> to vector<1024x128xf32>
    %mul3A_11 = arith.mulf %get3A_1, %mul3A_10 : vector<1024x128xf32>
    %convert_element_type3A = arith.truncf %mul3A_11 : vector<1024x128xf32> to vector<1024x128xbf16>
    %get3A_12 = arith.constant 0 : index
    %get3A_13 = arith.constant 0 : index
    %get3A_14 = vector.load %arg3[%get3A_12, %get3A_13] : memref<2048x128xf32, #tpu.memory_space<vmem>>, vector<2048x128xf32>
    %convert_element_type3A_15 = arith.truncf %get3A_14 : vector<2048x128xf32> to vector<2048x128xbf16>
    %dot_general3A = arith.constant dense<0.000000e+00> : vector<1024x2048xf32>
    %dot_general3A_16 = tpu.matmul %convert_element_type3A, %convert_element_type3A_15, %dot_general3A {dimension_numbers = #tpu.dot_dimension_numbers<[1], [1], [0], [0], [0, 0, 1, 0], [], []>, transpose_lhs_hint = false} : vector<1024x128xbf16>, vector<2048x128xbf16>, vector<1024x2048xf32> -> vector<1024x2048xf32>
    %iota3A = tpu.iota {dimensions = array<i32: 1>} : vector<1x2048xi32>
    %add3A = arith.constant 98304 : i32
    %add3A_17 = vector.broadcast %add3A : i32 to vector<1x2048xi32>
    %add3A_18 = arith.addi %add3A_17, %iota3A : vector<1x2048xi32>
    %lt3A = arith.constant 100000 : i32
    %lt3A_19 = vector.broadcast %lt3A : i32 to vector<1x2048xi32>
    %lt3A_20 = arith.cmpi slt, %add3A_18, %lt3A_19 : vector<1x2048xi32>
    %jit3A = arith.constant 0xFF800000 : f32
    %broadcast_in_dim3A_21 = vector.shape_cast %lt3A_20 : vector<1x2048xi1> to vector<1x2048xi1>
    %broadcast_in_dim3A_22 = vector.broadcast %broadcast_in_dim3A_21 : vector<1x2048xi1> to vector<1024x2048xi1>
    %broadcast_in_dim3A_23 = vector.broadcast %jit3A : f32 to vector<1024x2048xf32>
    %select_n3A = arith.select %broadcast_in_dim3A_22, %dot_general3A_16, %broadcast_in_dim3A_23 : vector<1024x2048xi1>, vector<1024x2048xf32>
    %get3A_24 = arith.constant 0 : index
    %get3A_25 = arith.constant 0 : index
    %get3A_26 = vector.load %arg4[%get3A_24, %get3A_25] : memref<1024x1xf32, #tpu.memory_space<vmem>>, vector<1024x1xf32>
    %exp23A = math.exp2 %select_n3A : vector<1024x2048xf32>
    %reduce_sum3A_27 = arith.constant dense<0.000000e+00> : vector<1024xf32>
    %reduce_sum3A_28 = vector.multi_reduction <add>, %exp23A, %reduce_sum3A_27 [1] : vector<1024x2048xf32> to vector<1024xf32>
    %broadcast_in_dim3A_29 = vector.shape_cast %reduce_sum3A_28 : vector<1024xf32> to vector<1024x1xf32>
    %add3A_30 = arith.addf %get3A_26, %broadcast_in_dim3A_29 : vector<1024x1xf32>
    %get3A_31 = arith.constant 0 : index
    %get3A_32 = arith.constant 0 : index
    %get3A_33 = vector.load %arg2[%get3A_31, %get3A_32] : memref<1024x128xf32, #tpu.memory_space<vmem>>, vector<1024x128xf32>
    %mul3A_34 = arith.mulf %mul3A_11, %get3A_33 : vector<1024x128xf32>
    %reduce_sum3A_35 = arith.constant dense<0.000000e+00> : vector<1024xf32>
    %reduce_sum3A_36 = vector.multi_reduction <add>, %mul3A_34, %reduce_sum3A_35 [1] : vector<1024x128xf32> to vector<1024xf32>
    %broadcast_in_dim3A_37 = vector.shape_cast %reduce_sum3A_36 : vector<1024xf32> to vector<1024x1xf32>
    %log3A = math.log %add3A_30 : vector<1024x1xf32>
    %log3A_38 = arith.constant 2.000000e+00 : f32
    %log3A_39 = math.log %log3A_38 : f32
    %div3A_40 = vector.broadcast %log3A_39 : f32 to vector<1024x1xf32>
    %div3A_41 = arith.divf %log3A, %div3A_40 : vector<1024x1xf32>
    %sub3A = arith.subf %div3A_41, %broadcast_in_dim3A_37 : vector<1024x1xf32>
    %mul3A_42 = arith.constant 0.693147182 : f32
    %mul3A_43 = vector.broadcast %mul3A_42 : f32 to vector<1024x1xf32>
    %mul3A_44 = arith.mulf %mul3A_43, %sub3A : vector<1024x1xf32>
    %min3A = arith.constant 18.420681 : f32
    %min3A_45 = vector.broadcast %min3A : f32 to vector<1024x1xf32>
    %min3A_46 = arith.minimumf %mul3A_44, %min3A_45 : vector<1024x1xf32>
    %reduce_sum3A_47 = vector.shape_cast %min3A_46 : vector<1024x1xf32> to vector<1x1024x1xf32>
    %reduce_sum3A_48 = arith.constant dense<0.000000e+00> : vector<1xf32>
    %reduce_sum3A_49 = vector.multi_reduction <add>, %reduce_sum3A_47, %reduce_sum3A_48 [1, 2] : vector<1x1024x1xf32> to vector<1xf32>
    %reduce_sum3A_50 = vector.shape_cast %reduce_sum3A_49 : vector<1xf32> to vector<1x1x1xf32>
    %reduce_sum3A_51 = vector.extract %reduce_sum3A_50[0, 0, 0] : f32 from vector<1x1x1xf32>
    %reshape3A = vector.broadcast %reduce_sum3A_51 : f32 to vector<1x1xf32>
    %mul3A_52 = arith.constant 9.765625E-4 : f32
    %mul3A_53 = vector.broadcast %mul3A_52 : f32 to vector<1x1xf32>
    %mul3A_54 = arith.mulf %reshape3A, %mul3A_53 : vector<1x1xf32>
    %swap3A = arith.constant 0 : index
    %swap3A_55 = arith.constant 0 : index
    %swap3A_56 = vector.load %arg5[%swap3A, %swap3A_55] : memref<1x1xf32, #tpu.memory_space<vmem>>, vector<1x1xf32>
    tpu.vector_store %arg5[%swap3A, %swap3A_55], %mul3A_54 {strides = array<i32>} : memref<1x1xf32, #tpu.memory_space<vmem>>, vector<1x1xf32>,
    return
  }
  func.func @transform_0(%arg0: i32) -> (i32, i32) {
    %c0_i32 = arith.constant 0 : i32
    %c0_i32_0 = arith.constant 0 : i32
    %c0_i32_1 = arith.constant 0 : i32
    return %c0_i32, %c0_i32_0 : i32, i32
  }
  func.func @transform_1(%arg0: i32) -> (i32, i32) {
    %c0_i32 = arith.constant 0 : i32
    %c0_i32_0 = arith.constant 0 : i32
    %c0_i32_1 = arith.constant 0 : i32
    return %c0_i32, %c0_i32_0 : i32, i32
  }
  func.func @transform_2(%arg0: i32) -> (i32, i32) {
    %c48_i32 = arith.constant 48 : i32
    %c0_i32 = arith.constant 0 : i32
    %c0_i32_0 = arith.constant 0 : i32
    return %c48_i32, %c0_i32 : i32, i32
  }
  func.func @transform_3(%arg0: i32) -> (i32, i32) {
    %c0_i32 = arith.constant 0 : i32
    %c0_i32_0 = arith.constant 0 : i32
    %c0_i32_1 = arith.constant 0 : i32
    return %c0_i32, %c0_i32_0 : i32, i32
  }
  func.func @transform_4(%arg0: i32) -> (i32, i32) {
    %c0_i32 = arith.constant 0 : i32
    %c0_i32_0 = arith.constant 0 : i32
    %c0_i32_1 = arith.constant 0 : i32
    return %c0_i32, %c0_i32_0 : i32, i32
  }
}

</mosaic_0001>

<sc_bundles>
// kernel: kernel.5.cloned.1.call-start
scs
__scs_entry_jumppad:
0x0: {  	(pc) =	sbr.rel $0x88, $3  }
0x1: {  	(tag) =	ssettag $0x0;
	lr =	simm.s32 $0x1  }
0x2: {  	[smem:$0x3F9E] =	sst lr;
	_ =	strace $0xD0000000  }
0x3: {  	_ = 	snop  }
0x4: {  	_ = 	snop  }
0x5: {  	_ = 	snop  }
0x6: {  	_ = 	snop  }
0x7: {  	_ = 	snop  }
__scs_overlays_trampoline_lowered:
0x8: {  	[smem:$0x3FAD] =	sst s0  }
0x9: {  	[smem:$0x3FAE] =	sst s1  }
0xa: {  	[smem:$0x3FAF] =	sst s2  }
0xb: {  	[smem:$0x3FB0] =	sst s3  }
0xc: {  	[smem:$0x3FB1] =	sst s4  }
0xd: {  	[smem:$0x3FB2] =	sst s5  }
0xe: {  	[smem:$0x3FB3] =	sst s6  }
0xf: {  	[smem:$0x3FB4] =	sst s7  }
0x10: {  	[smem:$0x3FB5] =	sst s8  }
0x11: {  	[smem:$0x3FB6] =	sst s9;
	s0 =	simm.s32 @!p0 $0x0  }
0x12: {  	s1 =	sld [smem:$0x3F9C];
	s0 =	simm.s32 @p0 $0x1  }
0x13: {  	[smem:$0x3FB7] =	sst s0;
	s0 =	simm.s32 @!p1 $0x0  }
0x14: {  	s2 =	sld [smem:$0x3F9B];
	s0 =	simm.s32 @p1 $0x1  }
0x15: {  	[smem:$0x3FB8] =	sst s0;
	s0 =	simm.s32 @!p2 $0x0  }
0x16: {  	s3 =	sld [smem:$0x3FDB];
	s0 =	simm.s32 @p2 $0x1  }
0x17: {  	s4 =	simm.s32 $0x1BF5;
	[smem:$0x3FBA] =	sst s0  }
0x18: {  	s0 =	sld [smem:$0x3F9D];
	_ =	swait.ge [sflag:s4], $0x0  }
0x19: {  	s7 =	sld [smem:$0x3F9E]  }
0x1a: {  	s8 =	sadd.s32 $0xFFFFE003, lr  }
0x1b: {  	s9 =	sadd.s32 $0xFFFFFEF7, lr;
	s5 =	simm.s32 $0xFFFFFFFF;
	p2 =	slt.u32 s8, $0xFFFFF086  }
0x1c: {  	p1 =	slt.u32 s9, $0xF7A;
	s5 =	simm.s32 @!p2 $0x0  }
0x1d: {  	s5 =	simm.s32 @p1 $0x1;
	p0 =	seq.s32 s7, s2  }
0x1e: {  	s7 =	smul.u32 @!p0 $0xF7A, s2;
	p2 =	seq.s32 @!p0 s5, $0x0  }
0x1f: {  	s9 =	smul.u32 $0xF7A, s1;
	s8 =	simm.s32 @!p0 $0x1BF5;
	p2 =	por !p2, p0  }
0x20: {  	[sflag:s8] =	ssyncset.s32 @!p0 $0xFFFFF086;
	s6 =	sadd.s32 @!p0 s3, s7;
	s7 =	simm.s32 @!p0 $0x108  }
0x21: {  	s3 =	sadd.s32 s3, s9;
	s6 =	sadd.s32 @!p0 $0x88, s6;
	s7 =	simm.s32 @p2 $0x1082  }
0x22: {  	[simem:s7], [sflag:s8] =	dma.local @!p0 [hbm:s6], $0xF7A  }
0x23: {  	s9 =	sor.u32 $0xD0000000, s2;
	s6 =	simm.s32 $0x108;
	_ =	swait.ge @!p0 [sflag:s8], $0x0  }
0x24: {  	s3 =	sadd.s32 $0x88, s3;
	s6 =	simm.s32 @!p1 $0x1082;
	[sflag:s4] =	ssyncset.s32 $0xFFFFF086  }
0x25: {  	[simem:s6], [sflag:s4] =	dma.local [hbm:s3], $0xF7A  }
0x26: {  	[smem:$0x3F9E] =	sst s1;
	(tag) =	ssettag s2;
	_ =	strace s9  }
0x27: {  	s1 =	sld [smem:$0x3FAE]  }
0x28: {  	s2 =	sld [smem:$0x3FAF]  }
0x29: {  	s4 =	sld [smem:$0x3FB1]  }
0x2a: {  	p0 =	seq.s32 s5, $0x0;
	s5 =	sld [smem:$0x3FB2]  }
0x2b: {  	s6 =	sld [smem:$0x3FB3]  }
0x2c: {  	s7 =	sld [smem:$0x3FB4]  }
0x2d: {  	s3 =	simm.s32 $0x108;
	s8 =	sld [smem:$0x3FB5]  }
0x2e: {  	s3 =	simm.s32 @!p0 $0x1082;
	s9 =	sld [smem:$0x3FB6]  }
0x2f: {  	lr =	sadd.s32 s0, s3;
	s0 =	sld [smem:$0x3FAD]  }
0x30: {  	s3 =	sld [smem:$0x3FB0]  }
0x31: {  	[smem:$0x3FB9] =	sst s10  }
0x32: {  	s10 =	sld [smem:$0x3FB7];
	_ =	sdelay $0x3  }
0x33: {  	p0 =	seq.s32 s10, $0x1;
	s10 =	sld [smem:$0x3FB9];
	_ =	sdelay $0x3  }
0x34: {  	[smem:$0x3FB9] =	sst s10  }
0x35: {  	s10 =	sld [smem:$0x3FB8];
	_ =	sdelay $0x3  }
0x36: {  	p1 =	seq.s32 s10, $0x1;
	s10 =	sld [smem:$0x3FB9];
	_ =	sdelay $0x3  }
0x37: {  	[smem:$0x3FB9] =	sst s10  }
0x38: {  	s10 =	sld [smem:$0x3FBA]  }
0x39: {  	_ = 	snop;
	(pc) =	sbr.ind lr, $3  }
0x3a: {  	_ = 	snop  }
0x3b: {  	_ = 	snop  }
0x3c: {  	p2 =	seq.s32 s10, $0x1;
	s10 =	sld [smem:$0x3FB9]  }
0x3d: {  	_ =	shalt  }
0x3e: {  	_ =	shalt  }
0x3f: {  	_ =	shalt  }
0x40: {  	_ =	shalt  }
0x41: {  	_ =	shalt  }
0x42: {  	_ =	shalt  }
0x43: {  	_ =	shalt  }
0x44: {  	_ =	shalt  }
0x45: {  	_ =	shalt  }
0x46: {  	_ =	shalt  }
0x47: {  	_ =	shalt  }
0x48: {  	_ =	shalt  }
0x49: {  	_ =	shalt  }
0x4a: {  	_ =	shalt  }
0x4b: {  	_ =	shalt  }
0x4c: {  	_ =	shalt  }
0x4d: {  	_ =	shalt  }
0x4e: {  	_ =	shalt  }
0x4f: {  	_ =	shalt  }
0x50: {  	_ =	shalt  }
0x51: {  	_ =	shalt  }
0x52: {  	_ =	shalt  }
0x53: {  	_ =	shalt  }
0x54: {  	_ =	shalt  }
0x55: {  	_ =	shalt  }
0x56: {  	_ =	shalt  }
0x57: {  	_ =	shalt  }
0x58: {  	_ =	shalt  }
0x59: {  	_ =	shalt  }
0x5a: {  	_ =	shalt  }
0x5b: {  	_ =	shalt  }
0x5c: {  	_ =	shalt  }
0x5d: {  	_ =	shalt  }
0x5e: {  	_ =	shalt  }
0x5f: {  	_ =	shalt  }
0x60: {  	_ =	shalt  }
0x61: {  	_ =	shalt  }
0x62: {  	_ =	shalt  }
0x63: {  	_ =	shalt  }
0x64: {  	_ =	shalt  }
0x65: {  	_ =	shalt  }
0x66: {  	_ =	shalt  }
0x67: {  	_ =	shalt  }
0x68: {  	_ =	shalt  }
0x69: {  	_ =	shalt  }
0x6a: {  	_ =	shalt  }
0x6b: {  	_ =	shalt  }
0x6c: {  	_ =	shalt  }
0x6d: {  	_ =	shalt  }
0x6e: {  	_ =	shalt  }
0x6f: {  	_ =	shalt  }
0x70: {  	_ =	shalt  }
0x71: {  	_ =	shalt  }
0x72: {  	_ =	shalt  }
0x73: {  	_ =	shalt  }
0x74: {  	_ =	shalt  }
0x75: {  	_ =	shalt  }
0x76: {  	_ =	shalt  }
0x77: {  	_ =	shalt  }
0x78: {  	_ =	shalt  }
0x79: {  	_ =	shalt  }
0x7a: {  	_ =	shalt  }
0x7b: {  	_ =	shalt  }
0x7c: {  	_ =	shalt  }
0x7d: {  	_ =	shalt  }
0x7e: {  	_ =	shalt  }
0x7f: {  	_ =	shalt  }
0x80: {  	_ =	shalt  }
0x81: {  	_ =	shalt  }
0x82: {  	_ =	shalt  }
0x83: {  	_ =	shalt  }
0x84: {  	_ =	shalt  }
0x85: {  	_ =	shalt  }
0x86: {  	_ =	shalt  }
0x87: {  	_ =	shalt  }
.Lfunc_end0:
.L_simem_size_0:
called_computation_lowered:
.L_overlay_start_0:
0x88: {  	s2 =	sld [smem:$0x3FD9]  }
0x89: {  	s3 =	sld [smem:$0x3FFE];
	_ =	sdelay $0x1  }
0x8a: {  	s1 =	srdreg.scid  }
0x8b: {  	s0 =	sand.u32 $0x1, s1  }
0x8c: {  	s17 =	sshll.u32 s0, $0xA;
	s2 =	sadd.s32 s3, s2  }
0x8d: {  	s2 =	sadd.s32 s2, s17  }
0x8e: {  	[smem:$0x3FC5] =	sst s2  }
0x8f: {  	_ = 	snop  }
0x90: {  	s2 =	sld [smem:$0x3FC8]  }
0x91: {  	s18 =	sld [smem:$0x3FC7];
	(tm) =	ssettm $0x1  }
0x92: {  	s4 =	sld [smem:$0x3FFB];
	_ =	sdelay $0x3  }
0x93: {  	_ =	strace s4  }
0x94: {  	s4 =	sld [smem:$0x3FFC];
	_ =	sdelay $0x3  }
0x95: {  	_ =	strace s4  }
0x96: {  	s4 =	sld [smem:$0x3FFD];
	_ =	sdelay $0x3  }
0x97: {  	_ =	strace s4  }
0x98: {  	_ =	strace $0x8FFFFFFF  }
0x99: {  	s19 =	sld [smem:$0x3FDB];
	_ =	sdelay $0x1  }
0x9a: {  	s5 =	simm.s32 $_scs_section_size  }
0x9b: {  	s6 =	simm.s32 $_size__tile_overlayer_lowered;
	s7 =	simm.s32 $_tile_overlayer_lowered  }
0x9c: {  	s22 =	simm.s32 $0x1BFF;
	s21 =	sshll.u32 s7, $0x1;
	s4 =	sadd.s32 s5, s19  }
0x9d: {  	s8 =	simm.s32 $0x0;
	s20 =	sshll.u32 s6, $0x1;
	s6 =	sadd.s32 s21, s4  }
0x9e: {  	[timem:s8], [sflag:s22] =	dma.local [hbm:s6], s20  }
0x9f: {  	_ =	swait.ge [sflag:s22], s20  }
0xa0: {  	s5 =	ssub.s32 $0x0, s20;
	[sflag:s22] =	ssyncset.done $0x0  }
0xa1: {  	[sflag:s22] =	ssyncadd.s32 s5;
	_ =	sdelay $0x1  }
0xa2: {  	s23 =	simm.s32 $0x1B8B  }
0xa3: {  	_ =	swait.ge [sflag:s23], $0x1  }
0xa4: {  	[sflag:s23] =	ssyncset.done $0x0  }
0xa5: {  	s25 =	simm.s32 $0x1B8E;
	s24 =	sld [smem:$0x3FFE];
	[sflag:s23] =	ssyncadd.s32 $0xFFFFFFFF  }
0xa6: {  	s26 =	simm.s32 $execute0_lowered;
	[smem:$0x3FD2] =	sst s25  }
0xa7: {  	s6 =	sshll.u32 s26, $0x1;
	_ =	strace $0x80000046;
	[dreg:$0x1] =	wrdreg $0xFFFFFFFF  }
0xa8: {  	s28 =	simm.s32 $_size_execute0_lowered;
	s4 =	sadd.s32 s4, s6;
	[dreg:$0x0] =	wrdreg $0x0  }
0xa9: {  	s6 =	sshll.u32 s28, $0x1;
	[dreg:$0x2] =	wrdreg s4  }
0xaa: {  	[dreg:$0x3] =	wrdreg s6  }
0xab: {  	[dreg:$0x4] =	wrdreg $0xC0  }
0xac: {  	_ =	task [dreg:s8], $0x5FFFF  }
0xad: {  	[dreg:$0x1] =	wrdreg $0xFFFFFFFF  }
0xae: {  	[dreg:$0x0] =	wrdreg $0x60  }
0xaf: {  	[dreg:$0x2] =	wrdreg s18  }
0xb0: {  	[dreg:$0x3] =	wrdreg s2  }
0xb1: {  	[dreg:$0x4] =	wrdreg s24  }
0xb2: {  	[dreg:$0x5] =	wrdreg $0x9  }
0xb3: {  	_ =	task.clear_ibuf [dreg:s8], $0x6FFFF;
	_ =	strace $0x90000046  }
0xb4: {  	s29 =	simm.s32 $0x9;
	_ =	strace $0x80000048  }
0xb5: {  	_ =	swait.ge [sflag:s29], $0x1  }
0xb6: {  	[sflag:s29] =	ssyncadd.s32 $0xFFFFFFFF  }
0xb7: {  	_ =	strace $0x90000048  }
0xb8: {  	_ =	sfence  }
0xb9: {  	s30 =	sld [smem:$0x0];
	_ =	sdelay $0x2  }
0xba: {  	s31 =	sshll.u32 s1, $0xD;
	s1 =	sshrl.u32 s1, $0x2  }
0xbb: {  	s3 =	sand.u32 $0x4000, s31;
	s1 =	sadd.s32 s1, s30  }
0xbc: {  	s0 =	sor.u32 s3, s0;
	s1 =	sshll.u32 s1, $0x11  }
0xbd: {  	s0 =	sor.u32 s1, s0  }
0xbe: {  	s0 =	sadd.s32 $0x8F2B, s0  }
0xbf: {  	[sflag:s0] =	ssyncadd.remote.s32 $0x1  }
0xc0: {  	_ =	sfence.sel $0xFFFF  }
0xc1: {  	[dreg:$0x0] =	wrdreg $0xFFFFFFFF;
	(pc) =	sbr.abs _section_cstart, $3  }
0xc2: {  	[dreg:$0x1] =	wrdreg $0xFFFFFFFF  }
0xc3: {  	_ =	task.clear_ibuf [dreg:s8], $0x2FFFF;
	_ =	strace $0x9FFFFFFF  }
0xc4: {  	(tm) =	ssettm $0x7FFFFFFF  }
0xc5: {  	_ =	shalt  }
tec
execute0_lowered:
.L_overlay_start_1:
0x0: {  	(tag) =	ssettag $0x1  }
0x1: {  	s1 =	rddreg [dreg:$0x0];
	s2 =	srdreg.scid  }
0x2: {  	s4 =	rddreg [dreg:$0x1];
	s0 =	stileid.u32  }
0x3: {  	s9 =	rddreg [dreg:$0x2];
	s3 =	simm.s32 $0x0;
	s6 =	sand.u32 $0x1, s2  }
0x4: {  	s5 =	sshll.u32 s0, $0x6;
	s2 =	rddreg [dreg:$0x3];
	s7 =	sshll.u32 s6, $0x5  }
0x5: {  	s8 =	simm.s32 $0x1;
	[smem:$0x7FF] =	sst s3;
	s10 =	sor.u32 s7, s5  }
0x6: {  	_ =	strace $0x80000047;
	s11 =	ssub.s32 $0x2, s6;
	s5 =	sshrl.u32 s10, $0x3  }
0x7: {  	s6 =	simm.s32 $0x20;
	s5 =	sadd.s32 s4, s5;
	s4 =	simm.s32 $0x2  }
0x8: {  	[tilespmem:s3], [sflag:$0x2] =	stream.linear.gather [hbm4b:s5+s3], $0x20, $0x38;
	[tilespmem:$0x1080] =	vst v63  }
0x9: {  	s7 =	simm.s32 $0x80;
	s12 =	sshrl.u32 s11, $0x1;
	_ =	swait.ge [sflag:s4], $0x20  }
0xa: {  	s10 =	sshll.u32 s10, $0x4;
	s31 =	ssub.s32 s11, s12;
	[sflag:s4] =	ssyncset.done $0x0  }
0xb: {  	s9 =	sadd.s32 s10, s9;
	s10 =	smax.u32 s31, $0x1;
	[sflag:s4] =	ssyncadd.s32 $0xFFFFFFE0  }
0xc: {  	[tilespmem:s7], [sflag:$0x1] =	stream.indirect.gather [hbm4b:s1+s6], $0x80, s3, s6, $0xb8;
	[tilespmem:$0x1080] =	vst v63  }
0xd: {  	p0 =	sne.s32 s10, $0x1;
	_ =	swait.ge [sflag:s8], $0x1000  }
.Ltmp0:
0xe: {  	[sflag:s8] =	ssyncset.done $0x0;
	(pc) =	sbr.rel @!p0 .LBB2_2-.Ltmp0, $4  }
0xf: {  	s9 =	sadd.s32 $0x800, s9;
	[sflag:s8] =	ssyncadd.s32 $0xFFFFF000  }
0x10: {  	[hbm4b:s9+s3] =	stream.linear.scatter [tilespmem:s7], [sflag:$0x2], $0x1000, $0x38;
	[tilespmem:$0x1080] =	vst v63  }
0x11: {  	_ =	swait.ge [sflag:s4], $0x1000  }
0x12: {  	s10 =	sadd.s32 $0xFFFFFFFF, s10;
	[sflag:s4] =	ssyncset.done $0x0  }
.LBB2_1:
0x13: {  	p0 =	sne.s32 s10, $0x1;
	s10 =	sadd.s32 $0xFFFFFFFF, s10;
	[sflag:s4] =	ssyncadd.s32 $0xFFFFF000  }
0x14: {  	[tilespmem:s3], [sflag:$0x2] =	stream.linear.gather [hbm4b:s5+s3], $0x20, $0x38;
	[tilespmem:$0x1080] =	vst v63  }
0x15: {  	_ =	swait.ge [sflag:s4], $0x20  }
0x16: {  	[sflag:s4] =	ssyncset.done $0x0  }
0x17: {  	[sflag:s4] =	ssyncadd.s32 $0xFFFFFFE0  }
0x18: {  	[tilespmem:s7], [sflag:$0x1] =	stream.indirect.gather [hbm4b:s1+s6], $0x80, s3, s6, $0xb8;
	[tilespmem:$0x1080] =	vst v63  }
0x19: {  	_ =	swait.ge [sflag:s8], $0x1000  }
.Ltmp1:
0x1a: {  	[sflag:s8] =	ssyncset.done $0x0;
	(pc) =	sbr.rel @p0 .LBB2_1-.Ltmp1, $4  }
0x1b: {  	[sflag:s8] =	ssyncadd.s32 $0xFFFFF000  }
0x1c: {  	[hbm4b:s9+s3] =	stream.linear.scatter [tilespmem:s7], [sflag:$0x2], $0x1000, $0x38;
	[tilespmem:$0x1080] =	vst v63  }
0x1d: {  	_ =	swait.ge [sflag:s4], $0x1000  }
0x1e: {  	[sflag:s4] =	ssyncset.done $0x0  }
.LBB2_2:
0x1f: {  	[sflag:s4] =	ssyncadd.s32 $0xFFFFF000  }
0x20: {  	_ =	sfence.sel $0x180000  }
0x21: {  	[bflag:$0x0] =	sbarrier.arrive $0xFFFF  }
0x22: {  	p0 =	sne.s32 s0, $0x0;
	_ =	strace $0x90000047  }
0x23: {  	s0 =	sadd.s32 @!p0 $0x100000, s2;
	[bflag:$0x2] =	sbarrier.arrive $0xFFFF  }
0x24: {  	[sflag:s0] =	ssyncadd.tile.s32 @!p0 $0x1;
	_ =	shalt  }
.Lfunc_end2:
_tile_overlayer_lowered:
.L_overlay_start_2:
0x25: {  	(tag) =	ssettag $0x2  }
0x26: {  	s0 =	rddreg [dreg:$0x0];
	s2 =	stileid.u32  }
0x27: {  	s1 =	rddreg [dreg:$0x1];
	p0 =	sne.s32 s2, $0x0  }
0x28: {  	s3 =	rddreg [dreg:$0x2];
	[bflag:$0x3] =	sbarrier.arrive $0xFFFF;
	s2 =	simm.s32 @!p0 $0x1C02  }
0x29: {  	[timem:s3], [sflag:s2] =	dma.local @!p0 [hbm:s0], s1  }
0x2a: {  	s0 =	simm.s32 @!p0 $0x2  }
0x2b: {  	_ =	swait.ge @!p0 [sflag:s0], s1  }
0x2c: {  	s1 =	ssub.s32 @!p0 $0x0, s1;
	[sflag:s0] =	ssyncset.done @!p0 $0x0  }
0x2d: {  	[sflag:s0] =	ssyncadd.s32 @!p0 s1  }
0x2e: {  	[bflag:$0x3] =	sbarrier.arrive $0xFFFF  }
0x2f: {  	_ =	shalt  }

</sc_bundles>
